<compile_context>
chip_gen: v7x
topology: tpu7x:2x2x1
jax: 0.10.2.dev20260603
libtpu: 0.0.44.dev20260713+nightly
codegen_flags: <defaults>
</compile_context>

<pallas_src>
import functools

import jax
import jax.numpy as jnp
from jax import lax
from jax.experimental import pallas as pl
from jax.experimental.pallas import tpu as pltpu
from jax.experimental.pallas import tpu_sc as plsc

DIM = 256
K = 8192
COMMIT = 0.25

N_ROWS = 16 * 576

RT = 4608
KT = 1024
NR = N_ROWS // RT
NK = K // KT
NCHUNK = KT // 128

HI = 128
LO = 64


def _argmin_body(x_ref, es_ref, e2_ref, x2_ref, idx_ref, loss_ref, perp_ref,
                 rv_ref, rc_ref, xm2_ref, cnt_ref):
    r = pl.program_id(0)
    k = pl.program_id(1)

    @pl.when(k == 0)
    def _():
        xm2_ref[...] = x_ref[...] * -2.0
        rv_ref[...] = jnp.full((RT, 128), jnp.inf, jnp.float32)
        rc_ref[...] = jnp.zeros((RT, 128), jnp.float32)

    m = lax.dot_general(xm2_ref[...], es_ref[...], (((1,), (1,)), ((), ())),
                        preferred_element_type=jnp.float32)
    x2 = x2_ref[...]
    rv = rv_ref[...]
    rc = rc_ref[...]
    for j in range(NCHUNK):
        s = (x2 + e2_ref[:, j * 128:(j + 1) * 128]) \
            + m[:, j * 128:(j + 1) * 128]
        cid = (k * NCHUNK + j).astype(jnp.float32)
        lt = s < rv
        rv = jnp.where(lt, s, rv)
        rc = jnp.where(lt, cid, rc)
    rv_ref[...] = rv
    rc_ref[...] = rc

    @pl.when(k == NK - 1)
    def _():
        rowmin = jnp.min(rv, axis=1, keepdims=True)
        lane = lax.broadcasted_iota(jnp.int32, (1, 128), 1).astype(
            jnp.float32)
        absidx = rc * 128.0 + lane
        cand = (rv - rowmin) * 1e38 + absidx
        idxv = jnp.min(cand, axis=1, keepdims=True).astype(jnp.int32)
        idx_ref[...] = idxv
        part = jnp.sum(rowmin)

        hi = lax.shift_right_logical(idxv, 6)
        lo = lax.bitwise_and(idxv, jnp.int32(LO - 1))
        hb = lax.broadcasted_iota(jnp.int32, (RT, HI), 1)
        lb = lax.broadcasted_iota(jnp.int32, (RT, LO), 1)
        H = (hi == hb).astype(jnp.float32)
        L = (lo == lb).astype(jnp.float32)
        part_counts = lax.dot_general(
            H, L, (((0,), (0,)), ((), ())),
            preferred_element_type=jnp.float32)

        @pl.when(r == 0)
        def _():
            loss_ref[...] = jnp.full((1, 1), part, jnp.float32)
            cnt_ref[...] = part_counts

        @pl.when(r > 0)
        def _():
            loss_ref[...] = loss_ref[...] + part
            cnt_ref[...] = cnt_ref[...] + part_counts

        @pl.when(r == NR - 1)
        def _():
            loss_ref[...] = loss_ref[...] * (COMMIT / (N_ROWS * DIM))
            p = cnt_ref[...] / N_ROWS
            ent = -jnp.sum(p * jnp.log(p + 1e-10))
            perp_ref[...] = jnp.full((1, 1), jnp.exp(ent), jnp.float32)


def _argmin(x, es, e2row, x2):
    return pl.pallas_call(
        _argmin_body,
        grid=(NR, NK),
        in_specs=[
            pl.BlockSpec((RT, DIM), lambda r, k: (r, 0)),
            pl.BlockSpec((KT, DIM), lambda r, k: (k, 0)),
            pl.BlockSpec((1, KT), lambda r, k: (0, k)),
            pl.BlockSpec((RT, 1), lambda r, k: (r, 0)),
        ],
        out_specs=(
            pl.BlockSpec((RT, 1), lambda r, k: (r, 0)),
            pl.BlockSpec((1, 1), lambda r, k: (0, 0)),
            pl.BlockSpec((1, 1), lambda r, k: (0, 0)),
        ),
        out_shape=(
            jax.ShapeDtypeStruct((N_ROWS, 1), jnp.int32),
            jax.ShapeDtypeStruct((1, 1), jnp.float32),
            jax.ShapeDtypeStruct((1, 1), jnp.float32),
        ),
        scratch_shapes=[pltpu.VMEM((RT, 128), jnp.float32),
                        pltpu.VMEM((RT, 128), jnp.float32),
                        pltpu.VMEM((RT, DIM), jnp.float32),
                        pltpu.VMEM((HI, LO), jnp.float32)],
    )(x, es, e2row, x2)


def _gather(table, idx):
    info = plsc.get_sparse_core_info()
    nc, ns = info.num_cores, info.num_subcores
    nw = nc * ns
    b_per_w = N_ROWS // nw

    @functools.partial(
        pl.kernel,
        mesh=plsc.VectorSubcoreMesh(core_axis_name="c", subcore_axis_name="s"),
        out_type=jax.ShapeDtypeStruct((N_ROWS, DIM), jnp.float32),
        scratch_types=[
            pltpu.VMEM((b_per_w,), jnp.int32),
            pltpu.VMEM((b_per_w, DIM), jnp.float32),
            pltpu.SemaphoreType.DMA,
        ],
    )
    def gather_k(table_hbm, idx_hbm, out_hbm, idx_v, rows_v, sem):
        wid = lax.axis_index("s") * nc + lax.axis_index("c")
        base = wid * b_per_w
        pltpu.sync_copy(idx_hbm.at[pl.ds(base, b_per_w)], idx_v)
        pltpu.async_copy(table_hbm.at[idx_v], rows_v, sem).wait()
        pltpu.sync_copy(rows_v, out_hbm.at[pl.ds(base, b_per_w)])

    return gather_k(table, idx)


def kernel(inputs, embed):
    B, D, T = inputs.shape
    x = jnp.transpose(inputs, (0, 2, 1)).reshape(N_ROWS, D)
    input_std = jnp.std(x, axis=0, keepdims=True, ddof=1)
    input_mean = jnp.mean(x, axis=0, keepdims=True)
    es = embed * input_std * 0.5 + input_mean
    x2 = jnp.sum(x ** 2, axis=1, keepdims=True)
    e2row = jnp.sum(es ** 2, axis=1).reshape(1, K)
    idx2d, loss, perp = _argmin(x, es, e2row, x2)
    idx = idx2d.reshape(N_ROWS)
    q_flat = _gather(es, idx)
    quantized = jnp.transpose(q_flat.reshape(B, T, D), (0, 2, 1))
    return (quantized, loss.reshape(()), perp.reshape(()))

# --- scband reference (transcript-rebuilt; emitter-appended) ---
"""Pipeline reference for scband-vector-quantizer-23398981829010 (READ-ONLY COPY).

The authoritative reference and input builder live on the scoring server;
editing this copy changes nothing except your own understanding.
"""

import jax, jax.numpy as jnp
import numpy as np

DIM = 256
K = 8192
COMMIT = 0.25
EPS = 1e-05

def setup_inputs(seed: int = 0) -> dict:
    key = jax.random.key(seed)
    k1, k2 = jax.random.split(key)
    inputs = jax.random.normal(k1, (16, DIM, 576), dtype=jnp.float32)
    # embed buffer acts as the randn_like noise used at first-forward initialization
    embed = jax.random.normal(k2, (K, DIM), dtype=jnp.float32)
    return {"inputs": inputs, "embed": embed}

def reference(inputs, embed):
    B, D, T = inputs.shape
    inputs_flat = jnp.transpose(inputs, (0, 2, 1)).reshape(-1, D)
    # first-forward data-dependent codebook init (done under no_grad in torch)
    input_std = jnp.std(inputs_flat, axis=0, keepdims=True, ddof=1)
    input_mean = jnp.mean(inputs_flat, axis=0, keepdims=True)
    embed_used = jax.lax.stop_gradient(embed * input_std * 0.5 + input_mean)
    # squared L2 distances to all codewords
    distances = (jnp.sum(inputs_flat ** 2, axis=1, keepdims=True)
                 + jnp.sum(embed_used ** 2, axis=1)
                 - 2.0 * jnp.matmul(inputs_flat, embed_used.T))
    encoding_indices = jnp.argmin(distances, axis=1)
    encodings = jax.nn.one_hot(encoding_indices, K, dtype=jnp.float32)
    quantized_flat = jnp.matmul(encodings, embed_used)
    quantized = jnp.transpose(quantized_flat.reshape(B, T, D), (0, 2, 1))
    commitment_loss = jnp.mean((inputs_flat - jax.lax.stop_gradient(quantized_flat)) ** 2) * COMMIT
    # straight-through estimator
    quantized = inputs + jax.lax.stop_gradient(quantized - inputs)
    avg_probs = jnp.mean(encodings, axis=0)
    perplexity = jnp.exp(-jnp.sum(avg_probs * jnp.log(avg_probs + 1e-10)))
    return (quantized, commitment_loss, perplexity)

if __name__ == "__main__":
    import jax
    _d = setup_inputs()
    print(jax.jit(kernel)(*tuple(_d.values())))

</pallas_src>

<mosaic_0001>
#map = affine_map<(d0, d1) -> (0, 0)>
#map1 = affine_map<(d0, d1) -> (0)>
module attributes {stable_mosaic.version = 14 : i64} {
  func.func @gather_k(%arg0: i32, %arg1: i32, %arg2: memref<8192x256xf32, #tpu.memory_space<hbm>>, %arg3: memref<9216xi32, #tpu.memory_space<hbm>>, %arg4: memref<9216x256xf32, #tpu.memory_space<hbm>>, %arg5: memref<288xi32, #tpu.memory_space<vmem>>, %arg6: memref<288x256xf32, #tpu.memory_space<vmem>>, %arg7: memref<!tpu.dma_semaphore, #tpu.memory_space<semaphore_mem>>) attributes {dimension_semantics = [#tpu.dimension_semantics<core_parallel>, #tpu.dimension_semantics<subcore_parallel>], iteration_bounds = array<i64: 2, 16>, scalar_prefetch = 0 : i64, scratch_operands = 3 : i64, tpu.core_type = #tpu.core_type<sc_vector_subcore>, window_params = [{transform_indices = #map}, {transform_indices = #map1}, {transform_indices = #map}]} {
    %mul3A = arith.constant 2 : i32
    %mul3A_0 = arith.muli %arg1, %mul3A : i32
    %add3A = arith.addi %mul3A_0, %arg0 : i32
    %mul3A_1 = arith.constant 288 : i32
    %mul3A_2 = arith.muli %add3A, %mul3A_1 : i32
    "tpu.region"() ({
      %run_scoped3A = tpu.sem_alloc : memref<!tpu.dma_semaphore, #tpu.memory_space<semaphore_mem>>
      %dma_start3A_7 = tpu.memref_slice %arg3[%mul3A_2] : memref<9216xi32, #tpu.memory_space<hbm>> -> memref<288xi32, #tpu.memory_space<hbm>>
      %dma_start3A_8 = tpu.memref_slice %arg3[%mul3A_2] : memref<9216xi32, #tpu.memory_space<hbm>> -> memref<288xi32, #tpu.memory_space<hbm>>
      tpu.enqueue_dma source(%dma_start3A_8 : memref<288xi32, #tpu.memory_space<hbm>>) target(%arg5 : memref<288xi32, #tpu.memory_space<vmem>>) target_semaphore(%run_scoped3A : memref<!tpu.dma_semaphore, #tpu.memory_space<semaphore_mem>>)
      %dma_wait3A_9 = tpu.memref_slice %arg3[%mul3A_2] : memref<9216xi32, #tpu.memory_space<hbm>> -> memref<288xi32, #tpu.memory_space<hbm>>
      %dma_wait3A_10 = tpu.memref_slice %arg3[%mul3A_2] : memref<9216xi32, #tpu.memory_space<hbm>> -> memref<288xi32, #tpu.memory_space<hbm>>
      tpu.wait_dma2 semaphore(%run_scoped3A : memref<!tpu.dma_semaphore, #tpu.memory_space<semaphore_mem>>) src(%dma_wait3A_10 : memref<288xi32, #tpu.memory_space<hbm>>) dst(%arg5 : memref<288xi32, #tpu.memory_space<vmem>>)
      tpu.yield
    }) : () -> ()
    %dma_start3A = arith.constant 0 : i32
    %dma_start3A_3 = arith.constant 0 : i32
    %dma_start3A_4 = tpu.memref_slice %arg2[%dma_start3A, %dma_start3A_3] : memref<8192x256xf32, #tpu.memory_space<hbm>> -> memref<8192x256xf32, #tpu.memory_space<hbm>>
    tpu.enqueue_indirect_dma source(%dma_start3A_4 : memref<8192x256xf32, #tpu.memory_space<hbm>>) target(%arg6 : memref<288x256xf32, #tpu.memory_space<vmem>>) offsets(%arg5 : memref<288xi32, #tpu.memory_space<vmem>>) semaphore(%arg7 : memref<!tpu.dma_semaphore, #tpu.memory_space<semaphore_mem>>)
    %dma_wait3A = arith.constant 0 : i32
    %dma_wait3A_5 = arith.constant 0 : i32
    %dma_wait3A_6 = tpu.memref_slice %arg2[%dma_wait3A, %dma_wait3A_5] : memref<8192x256xf32, #tpu.memory_space<hbm>> -> memref<8192x256xf32, #tpu.memory_space<hbm>>
    tpu.wait_indirect_dma semaphore(%arg7 : memref<!tpu.dma_semaphore, #tpu.memory_space<semaphore_mem>>) src(%dma_wait3A_6 : memref<8192x256xf32, #tpu.memory_space<hbm>>) dst(%arg6 : memref<288x256xf32, #tpu.memory_space<vmem>>)
    "tpu.region"() ({
      %run_scoped3A = tpu.sem_alloc : memref<!tpu.dma_semaphore, #tpu.memory_space<semaphore_mem>>
      %dma_start3A_7 = arith.constant 0 : i32
      %dma_start3A_8 = tpu.memref_slice %arg4[%mul3A_2, %dma_start3A_7] : memref<9216x256xf32, #tpu.memory_space<hbm>> -> memref<288x256xf32, #tpu.memory_space<hbm>>
      %dma_start3A_9 = arith.constant 0 : i32
      %dma_start3A_10 = tpu.memref_slice %arg4[%mul3A_2, %dma_start3A_9] : memref<9216x256xf32, #tpu.memory_space<hbm>> -> memref<288x256xf32, #tpu.memory_space<hbm>>
      tpu.enqueue_dma source(%arg6 : memref<288x256xf32, #tpu.memory_space<vmem>>) target(%dma_start3A_10 : memref<288x256xf32, #tpu.memory_space<hbm>>) target_semaphore(%run_scoped3A : memref<!tpu.dma_semaphore, #tpu.memory_space<semaphore_mem>>)
      %dma_wait3A_11 = arith.constant 0 : i32
      %dma_wait3A_12 = tpu.memref_slice %arg4[%mul3A_2, %dma_wait3A_11] : memref<9216x256xf32, #tpu.memory_space<hbm>> -> memref<288x256xf32, #tpu.memory_space<hbm>>
      %dma_wait3A_13 = arith.constant 0 : i32
      %dma_wait3A_14 = tpu.memref_slice %arg4[%mul3A_2, %dma_wait3A_13] : memref<9216x256xf32, #tpu.memory_space<hbm>> -> memref<288x256xf32, #tpu.memory_space<hbm>>
      tpu.wait_dma2 semaphore(%run_scoped3A : memref<!tpu.dma_semaphore, #tpu.memory_space<semaphore_mem>>) src(%arg6 : memref<288x256xf32, #tpu.memory_space<vmem>>) dst(%dma_wait3A_14 : memref<288x256xf32, #tpu.memory_space<hbm>>)
      tpu.yield
    }) : () -> ()
    return
  }
}

module attributes {stable_mosaic.version = 14 : i64} {
  func.func @_argmin_body(%arg0: i32, %arg1: i32, %arg2: memref<4608x256xf32, #tpu.memory_space<vmem>>, %arg3: memref<1024x256xf32, #tpu.memory_space<vmem>>, %arg4: memref<1x1024xf32, #tpu.memory_space<vmem>>, %arg5: memref<4608x1xf32, #tpu.memory_space<vmem>>, %arg6: memref<4608x1xi32, #tpu.memory_space<vmem>>, %arg7: memref<1x1xf32, #tpu.memory_space<vmem>>, %arg8: memref<1x1xf32, #tpu.memory_space<vmem>>, %arg9: memref<4608x128xf32, #tpu.memory_space<vmem>>, %arg10: memref<4608x128xf32, #tpu.memory_space<vmem>>, %arg11: memref<4608x256xf32, #tpu.memory_space<vmem>>, %arg12: memref<128x64xf32, #tpu.memory_space<vmem>>) attributes {dimension_semantics = [#tpu.dimension_semantics<arbitrary>, #tpu.dimension_semantics<arbitrary>], iteration_bounds = array<i64: 2, 8>, scalar_prefetch = 0 : i64, scratch_operands = 4 : i64, tpu.core_type = #tpu.core_type<tc>, window_params = [{transform_indices = @transform_0, window_bounds = array<i64: 4608, 256>}, {transform_indices = @transform_1, window_bounds = array<i64: 1024, 256>}, {transform_indices = @transform_2, window_bounds = array<i64: 1, 1024>}, {transform_indices = @transform_3, window_bounds = array<i64: 4608, 1>}, {transform_indices = @transform_4, window_bounds = array<i64: 4608, 1>}, {pipeline_mode = #tpu.pipeline_mode<synchronous>, transform_indices = @transform_5, window_bounds = array<i64: 1, 1>}, {pipeline_mode = #tpu.pipeline_mode<synchronous>, transform_indices = @transform_6, window_bounds = array<i64: 1, 1>}]} {
    %eq3A = arith.constant 0 : i32
    %eq3A_0 = arith.cmpi eq, %arg1, %eq3A : i32
    %convert_element_type3A = arith.extui %eq3A_0 : i1 to i32
    %cond3A = arith.constant 0 : i32
    %cond3A_1 = arith.cmpi ne, %convert_element_type3A, %cond3A : i32
    scf.if %cond3A_1 {
      %get3A_157 = arith.constant 0 : index
      %get3A_158 = arith.constant 0 : index
      %get3A_159 = vector.load %arg2[%get3A_157, %get3A_158] : memref<4608x256xf32, #tpu.memory_space<vmem>>, vector<4608x256xf32>
      %mul3A_160 = arith.constant -2.000000e+00 : f32
      %mul3A_161 = vector.broadcast %mul3A_160 : f32 to vector<4608x256xf32>
      %mul3A_162 = arith.mulf %get3A_159, %mul3A_161 : vector<4608x256xf32>
      %swap3A_163 = arith.constant 0 : index
      %swap3A_164 = arith.constant 0 : index
      %swap3A_165 = vector.load %arg11[%swap3A_163, %swap3A_164] : memref<4608x256xf32, #tpu.memory_space<vmem>>, vector<4608x256xf32>
      tpu.vector_store %arg11[%swap3A_163, %swap3A_164], %mul3A_162 {strides = array<i32>} : memref<4608x256xf32, #tpu.memory_space<vmem>>, vector<4608x256xf32>,
      %broadcast_in_dim3A_166 = arith.constant 0x7F800000 : f32
      %broadcast_in_dim3A_167 = vector.broadcast %broadcast_in_dim3A_166 : f32 to vector<4608x128xf32>
      %swap3A_168 = arith.constant 0 : index
      %swap3A_169 = arith.constant 0 : index
      %swap3A_170 = vector.load %arg9[%swap3A_168, %swap3A_169] : memref<4608x128xf32, #tpu.memory_space<vmem>>, vector<4608x128xf32>
      tpu.vector_store %arg9[%swap3A_168, %swap3A_169], %broadcast_in_dim3A_167 {strides = array<i32>} : memref<4608x128xf32, #tpu.memory_space<vmem>>, vector<4608x128xf32>,
      %broadcast_in_dim3A_171 = arith.constant 0.000000e+00 : f32
      %broadcast_in_dim3A_172 = vector.broadcast %broadcast_in_dim3A_171 : f32 to vector<4608x128xf32>
      %swap3A_173 = arith.constant 0 : index
      %swap3A_174 = arith.constant 0 : index
      %swap3A_175 = vector.load %arg10[%swap3A_173, %swap3A_174] : memref<4608x128xf32, #tpu.memory_space<vmem>>, vector<4608x128xf32>
      tpu.vector_store %arg10[%swap3A_173, %swap3A_174], %broadcast_in_dim3A_172 {strides = array<i32>} : memref<4608x128xf32, #tpu.memory_space<vmem>>, vector<4608x128xf32>,
    } else {
    }
    %get3A = arith.constant 0 : index
    %get3A_2 = arith.constant 0 : index
    %get3A_3 = vector.load %arg11[%get3A, %get3A_2] : memref<4608x256xf32, #tpu.memory_space<vmem>>, vector<4608x256xf32>
    %get3A_4 = arith.constant 0 : index
    %get3A_5 = arith.constant 0 : index
    %get3A_6 = vector.load %arg3[%get3A_4, %get3A_5] : memref<1024x256xf32, #tpu.memory_space<vmem>>, vector<1024x256xf32>
    %dot_general3A = arith.constant dense<0.000000e+00> : vector<4608x1024xf32>
    %dot_general3A_7 = tpu.matmul %get3A_3, %get3A_6, %dot_general3A {dimension_numbers = #tpu.dot_dimension_numbers<[1], [1], [0], [0], [0, 0, 1, 0], [], []>, transpose_lhs_hint = false} : vector<4608x256xf32>, vector<1024x256xf32>, vector<4608x1024xf32> -> vector<4608x1024xf32>
    %get3A_8 = arith.constant 0 : index
    %get3A_9 = arith.constant 0 : index
    %get3A_10 = vector.load %arg5[%get3A_8, %get3A_9] : memref<4608x1xf32, #tpu.memory_space<vmem>>, vector<4608x1xf32>
    %get3A_11 = arith.constant 0 : index
    %get3A_12 = arith.constant 0 : index
    %get3A_13 = vector.load %arg9[%get3A_11, %get3A_12] : memref<4608x128xf32, #tpu.memory_space<vmem>>, vector<4608x128xf32>
    %get3A_14 = arith.constant 0 : index
    %get3A_15 = arith.constant 0 : index
    %get3A_16 = vector.load %arg10[%get3A_14, %get3A_15] : memref<4608x128xf32, #tpu.memory_space<vmem>>, vector<4608x128xf32>
    %get3A_17 = arith.constant 0 : index
    %get3A_18 = arith.constant 0 : index
    %get3A_19 = vector.load %arg4[%get3A_17, %get3A_18] : memref<1x1024xf32, #tpu.memory_space<vmem>>, vector<1x128xf32>
    %add3A = vector.broadcast %get3A_10 : vector<4608x1xf32> to vector<4608x128xf32>
    %add3A_20 = vector.broadcast %get3A_19 : vector<1x128xf32> to vector<4608x128xf32>
    %add3A_21 = arith.addf %add3A, %add3A_20 : vector<4608x128xf32>
    %slice3A = vector.extract_strided_slice %dot_general3A_7 {offsets = [0, 0], sizes = [4608, 128], strides = [1, 1]} : vector<4608x1024xf32> to vector<4608x128xf32>
    %add3A_22 = arith.addf %add3A_21, %slice3A : vector<4608x128xf32>
    %mul3A = arith.constant 8 : i32
    %mul3A_23 = arith.muli %arg1, %mul3A : i32
    %add3A_24 = arith.constant 0 : i32
    %add3A_25 = arith.addi %mul3A_23, %add3A_24 : i32
    %convert_element_type3A_26 = arith.sitofp %add3A_25 : i32 to f32
    %lt3A = arith.cmpf olt, %add3A_22, %get3A_13 : vector<4608x128xf32>
    %select_n3A = arith.select %lt3A, %add3A_22, %get3A_13 : vector<4608x128xi1>, vector<4608x128xf32>
    %broadcast_in_dim3A = vector.broadcast %convert_element_type3A_26 : f32 to vector<4608x128xf32>
    %select_n3A_27 = arith.select %lt3A, %broadcast_in_dim3A, %get3A_16 : vector<4608x128xi1>, vector<4608x128xf32>
    %get3A_28 = arith.constant 0 : index
    %get3A_29 = arith.constant 128 : index
    %get3A_30 = vector.load %arg4[%get3A_28, %get3A_29] : memref<1x1024xf32, #tpu.memory_space<vmem>>, vector<1x128xf32>
    %add3A_31 = vector.broadcast %get3A_10 : vector<4608x1xf32> to vector<4608x128xf32>
    %add3A_32 = vector.broadcast %get3A_30 : vector<1x128xf32> to vector<4608x128xf32>
    %add3A_33 = arith.addf %add3A_31, %add3A_32 : vector<4608x128xf32>
    %slice3A_34 = vector.extract_strided_slice %dot_general3A_7 {offsets = [0, 128], sizes = [4608, 128], strides = [1, 1]} : vector<4608x1024xf32> to vector<4608x128xf32>
    %add3A_35 = arith.addf %add3A_33, %slice3A_34 : vector<4608x128xf32>
    %mul3A_36 = arith.constant 8 : i32
    %mul3A_37 = arith.muli %arg1, %mul3A_36 : i32
    %add3A_38 = arith.constant 1 : i32
    %add3A_39 = arith.addi %mul3A_37, %add3A_38 : i32
    %convert_element_type3A_40 = arith.sitofp %add3A_39 : i32 to f32
    %lt3A_41 = arith.cmpf olt, %add3A_35, %select_n3A : vector<4608x128xf32>
    %select_n3A_42 = arith.select %lt3A_41, %add3A_35, %select_n3A : vector<4608x128xi1>, vector<4608x128xf32>
    %broadcast_in_dim3A_43 = vector.broadcast %convert_element_type3A_40 : f32 to vector<4608x128xf32>
    %select_n3A_44 = arith.select %lt3A_41, %broadcast_in_dim3A_43, %select_n3A_27 : vector<4608x128xi1>, vector<4608x128xf32>
    %get3A_45 = arith.constant 0 : index
    %get3A_46 = arith.constant 256 : index
    %get3A_47 = vector.load %arg4[%get3A_45, %get3A_46] : memref<1x1024xf32, #tpu.memory_space<vmem>>, vector<1x128xf32>
    %add3A_48 = vector.broadcast %get3A_10 : vector<4608x1xf32> to vector<4608x128xf32>
    %add3A_49 = vector.broadcast %get3A_47 : vector<1x128xf32> to vector<4608x128xf32>
    %add3A_50 = arith.addf %add3A_48, %add3A_49 : vector<4608x128xf32>
    %slice3A_51 = vector.extract_strided_slice %dot_general3A_7 {offsets = [0, 256], sizes = [4608, 128], strides = [1, 1]} : vector<4608x1024xf32> to vector<4608x128xf32>
    %add3A_52 = arith.addf %add3A_50, %slice3A_51 : vector<4608x128xf32>
    %mul3A_53 = arith.constant 8 : i32
    %mul3A_54 = arith.muli %arg1, %mul3A_53 : i32
    %add3A_55 = arith.constant 2 : i32
    %add3A_56 = arith.addi %mul3A_54, %add3A_55 : i32
    %convert_element_type3A_57 = arith.sitofp %add3A_56 : i32 to f32
    %lt3A_58 = arith.cmpf olt, %add3A_52, %select_n3A_42 : vector<4608x128xf32>
    %select_n3A_59 = arith.select %lt3A_58, %add3A_52, %select_n3A_42 : vector<4608x128xi1>, vector<4608x128xf32>
    %broadcast_in_dim3A_60 = vector.broadcast %convert_element_type3A_57 : f32 to vector<4608x128xf32>
    %select_n3A_61 = arith.select %lt3A_58, %broadcast_in_dim3A_60, %select_n3A_44 : vector<4608x128xi1>, vector<4608x128xf32>
    %get3A_62 = arith.constant 0 : index
    %get3A_63 = arith.constant 384 : index
    %get3A_64 = vector.load %arg4[%get3A_62, %get3A_63] : memref<1x1024xf32, #tpu.memory_space<vmem>>, vector<1x128xf32>
    %add3A_65 = vector.broadcast %get3A_10 : vector<4608x1xf32> to vector<4608x128xf32>
    %add3A_66 = vector.broadcast %get3A_64 : vector<1x128xf32> to vector<4608x128xf32>
    %add3A_67 = arith.addf %add3A_65, %add3A_66 : vector<4608x128xf32>
    %slice3A_68 = vector.extract_strided_slice %dot_general3A_7 {offsets = [0, 384], sizes = [4608, 128], strides = [1, 1]} : vector<4608x1024xf32> to vector<4608x128xf32>
    %add3A_69 = arith.addf %add3A_67, %slice3A_68 : vector<4608x128xf32>
    %mul3A_70 = arith.constant 8 : i32
    %mul3A_71 = arith.muli %arg1, %mul3A_70 : i32
    %add3A_72 = arith.constant 3 : i32
    %add3A_73 = arith.addi %mul3A_71, %add3A_72 : i32
    %convert_element_type3A_74 = arith.sitofp %add3A_73 : i32 to f32
    %lt3A_75 = arith.cmpf olt, %add3A_69, %select_n3A_59 : vector<4608x128xf32>
    %select_n3A_76 = arith.select %lt3A_75, %add3A_69, %select_n3A_59 : vector<4608x128xi1>, vector<4608x128xf32>
    %broadcast_in_dim3A_77 = vector.broadcast %convert_element_type3A_74 : f32 to vector<4608x128xf32>
    %select_n3A_78 = arith.select %lt3A_75, %broadcast_in_dim3A_77, %select_n3A_61 : vector<4608x128xi1>, vector<4608x128xf32>
    %get3A_79 = arith.constant 0 : index
    %get3A_80 = arith.constant 512 : index
    %get3A_81 = vector.load %arg4[%get3A_79, %get3A_80] : memref<1x1024xf32, #tpu.memory_space<vmem>>, vector<1x128xf32>
    %add3A_82 = vector.broadcast %get3A_10 : vector<4608x1xf32> to vector<4608x128xf32>
    %add3A_83 = vector.broadcast %get3A_81 : vector<1x128xf32> to vector<4608x128xf32>
    %add3A_84 = arith.addf %add3A_82, %add3A_83 : vector<4608x128xf32>
    %slice3A_85 = vector.extract_strided_slice %dot_general3A_7 {offsets = [0, 512], sizes = [4608, 128], strides = [1, 1]} : vector<4608x1024xf32> to vector<4608x128xf32>
    %add3A_86 = arith.addf %add3A_84, %slice3A_85 : vector<4608x128xf32>
    %mul3A_87 = arith.constant 8 : i32
    %mul3A_88 = arith.muli %arg1, %mul3A_87 : i32
    %add3A_89 = arith.constant 4 : i32
    %add3A_90 = arith.addi %mul3A_88, %add3A_89 : i32
    %convert_element_type3A_91 = arith.sitofp %add3A_90 : i32 to f32
    %lt3A_92 = arith.cmpf olt, %add3A_86, %select_n3A_76 : vector<4608x128xf32>
    %select_n3A_93 = arith.select %lt3A_92, %add3A_86, %select_n3A_76 : vector<4608x128xi1>, vector<4608x128xf32>
    %broadcast_in_dim3A_94 = vector.broadcast %convert_element_type3A_91 : f32 to vector<4608x128xf32>
    %select_n3A_95 = arith.select %lt3A_92, %broadcast_in_dim3A_94, %select_n3A_78 : vector<4608x128xi1>, vector<4608x128xf32>
    %get3A_96 = arith.constant 0 : index
    %get3A_97 = arith.constant 640 : index
    %get3A_98 = vector.load %arg4[%get3A_96, %get3A_97] : memref<1x1024xf32, #tpu.memory_space<vmem>>, vector<1x128xf32>
    %add3A_99 = vector.broadcast %get3A_10 : vector<4608x1xf32> to vector<4608x128xf32>
    %add3A_100 = vector.broadcast %get3A_98 : vector<1x128xf32> to vector<4608x128xf32>
    %add3A_101 = arith.addf %add3A_99, %add3A_100 : vector<4608x128xf32>
    %slice3A_102 = vector.extract_strided_slice %dot_general3A_7 {offsets = [0, 640], sizes = [4608, 128], strides = [1, 1]} : vector<4608x1024xf32> to vector<4608x128xf32>
    %add3A_103 = arith.addf %add3A_101, %slice3A_102 : vector<4608x128xf32>
    %mul3A_104 = arith.constant 8 : i32
    %mul3A_105 = arith.muli %arg1, %mul3A_104 : i32
    %add3A_106 = arith.constant 5 : i32
    %add3A_107 = arith.addi %mul3A_105, %add3A_106 : i32
    %convert_element_type3A_108 = arith.sitofp %add3A_107 : i32 to f32
    %lt3A_109 = arith.cmpf olt, %add3A_103, %select_n3A_93 : vector<4608x128xf32>
    %select_n3A_110 = arith.select %lt3A_109, %add3A_103, %select_n3A_93 : vector<4608x128xi1>, vector<4608x128xf32>
    %broadcast_in_dim3A_111 = vector.broadcast %convert_element_type3A_108 : f32 to vector<4608x128xf32>
    %select_n3A_112 = arith.select %lt3A_109, %broadcast_in_dim3A_111, %select_n3A_95 : vector<4608x128xi1>, vector<4608x128xf32>
    %get3A_113 = arith.constant 0 : index
    %get3A_114 = arith.constant 768 : index
    %get3A_115 = vector.load %arg4[%get3A_113, %get3A_114] : memref<1x1024xf32, #tpu.memory_space<vmem>>, vector<1x128xf32>
    %add3A_116 = vector.broadcast %get3A_10 : vector<4608x1xf32> to vector<4608x128xf32>
    %add3A_117 = vector.broadcast %get3A_115 : vector<1x128xf32> to vector<4608x128xf32>
    %add3A_118 = arith.addf %add3A_116, %add3A_117 : vector<4608x128xf32>
    %slice3A_119 = vector.extract_strided_slice %dot_general3A_7 {offsets = [0, 768], sizes = [4608, 128], strides = [1, 1]} : vector<4608x1024xf32> to vector<4608x128xf32>
    %add3A_120 = arith.addf %add3A_118, %slice3A_119 : vector<4608x128xf32>
    %mul3A_121 = arith.constant 8 : i32
    %mul3A_122 = arith.muli %arg1, %mul3A_121 : i32
    %add3A_123 = arith.constant 6 : i32
    %add3A_124 = arith.addi %mul3A_122, %add3A_123 : i32
    %convert_element_type3A_125 = arith.sitofp %add3A_124 : i32 to f32
    %lt3A_126 = arith.cmpf olt, %add3A_120, %select_n3A_110 : vector<4608x128xf32>
    %select_n3A_127 = arith.select %lt3A_126, %add3A_120, %select_n3A_110 : vector<4608x128xi1>, vector<4608x128xf32>
    %broadcast_in_dim3A_128 = vector.broadcast %convert_element_type3A_125 : f32 to vector<4608x128xf32>
    %select_n3A_129 = arith.select %lt3A_126, %broadcast_in_dim3A_128, %select_n3A_112 : vector<4608x128xi1>, vector<4608x128xf32>
    %get3A_130 = arith.constant 0 : index
    %get3A_131 = arith.constant 896 : index
    %get3A_132 = vector.load %arg4[%get3A_130, %get3A_131] : memref<1x1024xf32, #tpu.memory_space<vmem>>, vector<1x128xf32>
    %add3A_133 = vector.broadcast %get3A_10 : vector<4608x1xf32> to vector<4608x128xf32>
    %add3A_134 = vector.broadcast %get3A_132 : vector<1x128xf32> to vector<4608x128xf32>
    %add3A_135 = arith.addf %add3A_133, %add3A_134 : vector<4608x128xf32>
    %slice3A_136 = vector.extract_strided_slice %dot_general3A_7 {offsets = [0, 896], sizes = [4608, 128], strides = [1, 1]} : vector<4608x1024xf32> to vector<4608x128xf32>
    %add3A_137 = arith.addf %add3A_135, %slice3A_136 : vector<4608x128xf32>
    %mul3A_138 = arith.constant 8 : i32
    %mul3A_139 = arith.muli %arg1, %mul3A_138 : i32
    %add3A_140 = arith.constant 7 : i32
    %add3A_141 = arith.addi %mul3A_139, %add3A_140 : i32
    %convert_element_type3A_142 = arith.sitofp %add3A_141 : i32 to f32
    %lt3A_143 = arith.cmpf olt, %add3A_137, %select_n3A_127 : vector<4608x128xf32>
    %select_n3A_144 = arith.select %lt3A_143, %add3A_137, %select_n3A_127 : vector<4608x128xi1>, vector<4608x128xf32>
    %broadcast_in_dim3A_145 = vector.broadcast %convert_element_type3A_142 : f32 to vector<4608x128xf32>
    %select_n3A_146 = arith.select %lt3A_143, %broadcast_in_dim3A_145, %select_n3A_129 : vector<4608x128xi1>, vector<4608x128xf32>
    %swap3A = arith.constant 0 : index
    %swap3A_147 = arith.constant 0 : index
    %swap3A_148 = vector.load %arg9[%swap3A, %swap3A_147] : memref<4608x128xf32, #tpu.memory_space<vmem>>, vector<4608x128xf32>
    tpu.vector_store %arg9[%swap3A, %swap3A_147], %select_n3A_144 {strides = array<i32>} : memref<4608x128xf32, #tpu.memory_space<vmem>>, vector<4608x128xf32>,
    %swap3A_149 = arith.constant 0 : index
    %swap3A_150 = arith.constant 0 : index
    %swap3A_151 = vector.load %arg10[%swap3A_149, %swap3A_150] : memref<4608x128xf32, #tpu.memory_space<vmem>>, vector<4608x128xf32>
    tpu.vector_store %arg10[%swap3A_149, %swap3A_150], %select_n3A_146 {strides = array<i32>} : memref<4608x128xf32, #tpu.memory_space<vmem>>, vector<4608x128xf32>,
    %eq3A_152 = arith.constant 7 : i32
    %eq3A_153 = arith.cmpi eq, %arg1, %eq3A_152 : i32
    %convert_element_type3A_154 = arith.extui %eq3A_153 : i1 to i32
    %cond3A_155 = arith.constant 0 : i32
    %cond3A_156 = arith.cmpi ne, %convert_element_type3A_154, %cond3A_155 : i32
    scf.if %cond3A_156 {
      %reduce_min3A = arith.constant dense<0x7F800000> : vector<4608xf32>
      %reduce_min3A_157 = vector.multi_reduction <minimumf>, %select_n3A_144, %reduce_min3A [1] : vector<4608x128xf32> to vector<4608xf32>
      %broadcast_in_dim3A_158 = vector.shape_cast %reduce_min3A_157 : vector<4608xf32> to vector<4608x1xf32>
      %iota3A = tpu.iota {dimensions = array<i32: 1>} : vector<1x128xi32>
      %convert_element_type3A_159 = arith.sitofp %iota3A : vector<1x128xi32> to vector<1x128xf32>
      %mul3A_160 = arith.constant 1.280000e+02 : f32
      %mul3A_161 = vector.broadcast %mul3A_160 : f32 to vector<4608x128xf32>
      %mul3A_162 = arith.mulf %select_n3A_146, %mul3A_161 : vector<4608x128xf32>
      %add3A_163 = vector.broadcast %convert_element_type3A_159 : vector<1x128xf32> to vector<4608x128xf32>
      %add3A_164 = arith.addf %mul3A_162, %add3A_163 : vector<4608x128xf32>
      %sub3A = vector.broadcast %broadcast_in_dim3A_158 : vector<4608x1xf32> to vector<4608x128xf32>
      %sub3A_165 = arith.subf %select_n3A_144, %sub3A : vector<4608x128xf32>
      %mul3A_166 = arith.constant 9.99999968E+37 : f32
      %mul3A_167 = vector.broadcast %mul3A_166 : f32 to vector<4608x128xf32>
      %mul3A_168 = arith.mulf %sub3A_165, %mul3A_167 : vector<4608x128xf32>
      %add3A_169 = arith.addf %mul3A_168, %add3A_164 : vector<4608x128xf32>
      %reduce_min3A_170 = arith.constant dense<0x7F800000> : vector<4608xf32>
      %reduce_min3A_171 = vector.multi_reduction <minimumf>, %add3A_169, %reduce_min3A_170 [1] : vector<4608x128xf32> to vector<4608xf32>
      %broadcast_in_dim3A_172 = vector.shape_cast %reduce_min3A_171 : vector<4608xf32> to vector<4608x1xf32>
      %convert_element_type3A_173 = arith.fptosi %broadcast_in_dim3A_172 : vector<4608x1xf32> to vector<4608x1xi32>
      %swap3A_174 = arith.constant 0 : index
      %swap3A_175 = arith.constant 0 : index
      %swap3A_176 = vector.load %arg6[%swap3A_174, %swap3A_175] : memref<4608x1xi32, #tpu.memory_space<vmem>>, vector<4608x1xi32>
      tpu.vector_store %arg6[%swap3A_174, %swap3A_175], %convert_element_type3A_173 {strides = array<i32>} : memref<4608x1xi32, #tpu.memory_space<vmem>>, vector<4608x1xi32>,
      %reduce_sum3A = vector.shape_cast %broadcast_in_dim3A_158 : vector<4608x1xf32> to vector<1x4608x1xf32>
      %reduce_sum3A_177 = arith.constant dense<0.000000e+00> : vector<1xf32>
      %reduce_sum3A_178 = vector.multi_reduction <add>, %reduce_sum3A, %reduce_sum3A_177 [1, 2] : vector<1x4608x1xf32> to vector<1xf32>
      %reduce_sum3A_179 = vector.shape_cast %reduce_sum3A_178 : vector<1xf32> to vector<1x1x1xf32>
      %reduce_sum3A_180 = vector.extract %reduce_sum3A_179[0, 0, 0] : f32 from vector<1x1x1xf32>
      %shift_right_logical3A = arith.constant 6 : i32
      %shift_right_logical3A_181 = vector.broadcast %shift_right_logical3A : i32 to vector<4608x1xi32>
      %shift_right_logical3A_182 = arith.shrui %convert_element_type3A_173, %shift_right_logical3A_181 : vector<4608x1xi32>
      %and3A = arith.constant 63 : i32
      %and3A_183 = vector.broadcast %and3A : i32 to vector<4608x1xi32>
      %and3A_184 = arith.andi %convert_element_type3A_173, %and3A_183 : vector<4608x1xi32>
      %iota3A_185 = tpu.iota {dimensions = array<i32: 1>} : vector<4608x128xi32>
      %iota3A_186 = tpu.iota {dimensions = array<i32: 1>} : vector<4608x64xi32>
      %eq3A_187 = vector.broadcast %shift_right_logical3A_182 : vector<4608x1xi32> to vector<4608x128xi32>
      %eq3A_188 = arith.cmpi eq, %eq3A_187, %iota3A_185 : vector<4608x128xi32>
      %convert_element_type3A_189 = arith.extui %eq3A_188 : vector<4608x128xi1> to vector<4608x128xi32>
      %convert_element_type3A_190 = arith.sitofp %convert_element_type3A_189 : vector<4608x128xi32> to vector<4608x128xf32>
      %eq3A_191 = vector.broadcast %and3A_184 : vector<4608x1xi32> to vector<4608x64xi32>
      %eq3A_192 = arith.cmpi eq, %eq3A_191, %iota3A_186 : vector<4608x64xi32>
      %convert_element_type3A_193 = arith.extui %eq3A_192 : vector<4608x64xi1> to vector<4608x64xi32>
      %convert_element_type3A_194 = arith.sitofp %convert_element_type3A_193 : vector<4608x64xi32> to vector<4608x64xf32>
      %dot_general3A_195 = arith.constant dense<0.000000e+00> : vector<128x64xf32>
      %dot_general3A_196 = tpu.matmul %convert_element_type3A_190, %convert_element_type3A_194, %dot_general3A_195 {dimension_numbers = #tpu.dot_dimension_numbers<[0], [0], [1], [1], [0, 1, 1, 1], [], []>, transpose_lhs_hint = false} : vector<4608x128xf32>, vector<4608x64xf32>, vector<128x64xf32> -> vector<128x64xf32>
      %eq3A_197 = arith.constant 0 : i32
      %eq3A_198 = arith.cmpi eq, %arg0, %eq3A_197 : i32
      %convert_element_type3A_199 = arith.extui %eq3A_198 : i1 to i32
      %cond3A_200 = arith.constant 0 : i32
      %cond3A_201 = arith.cmpi ne, %convert_element_type3A_199, %cond3A_200 : i32
      scf.if %cond3A_201 {
        %broadcast_in_dim3A_211 = vector.broadcast %reduce_sum3A_180 : f32 to vector<1x1xf32>
        %swap3A_212 = arith.constant 0 : index
        %swap3A_213 = arith.constant 0 : index
        %swap3A_214 = vector.load %arg7[%swap3A_212, %swap3A_213] : memref<1x1xf32, #tpu.memory_space<vmem>>, vector<1x1xf32>
        tpu.vector_store %arg7[%swap3A_212, %swap3A_213], %broadcast_in_dim3A_211 {strides = array<i32>} : memref<1x1xf32, #tpu.memory_space<vmem>>, vector<1x1xf32>,
        %swap3A_215 = arith.constant 0 : index
        %swap3A_216 = arith.constant 0 : index
        %swap3A_217 = vector.load %arg12[%swap3A_215, %swap3A_216] : memref<128x64xf32, #tpu.memory_space<vmem>>, vector<128x64xf32>
        tpu.vector_store %arg12[%swap3A_215, %swap3A_216], %dot_general3A_196 {strides = array<i32>} : memref<128x64xf32, #tpu.memory_space<vmem>>, vector<128x64xf32>,
      } else {
      }
      %gt3A = arith.constant 0 : i32
      %gt3A_202 = arith.cmpi sgt, %arg0, %gt3A : i32
      %convert_element_type3A_203 = arith.extui %gt3A_202 : i1 to i32
      %cond3A_204 = arith.constant 0 : i32
      %cond3A_205 = arith.cmpi ne, %convert_element_type3A_203, %cond3A_204 : i32
      scf.if %cond3A_205 {
        %get3A_211 = arith.constant 0 : index
        %get3A_212 = arith.constant 0 : index
        %get3A_213 = vector.load %arg7[%get3A_211, %get3A_212] : memref<1x1xf32, #tpu.memory_space<vmem>>, vector<1x1xf32>
        %add3A_214 = vector.broadcast %reduce_sum3A_180 : f32 to vector<1x1xf32>
        %add3A_215 = arith.addf %get3A_213, %add3A_214 : vector<1x1xf32>
        %swap3A_216 = arith.constant 0 : index
        %swap3A_217 = arith.constant 0 : index
        %swap3A_218 = vector.load %arg7[%swap3A_216, %swap3A_217] : memref<1x1xf32, #tpu.memory_space<vmem>>, vector<1x1xf32>
        tpu.vector_store %arg7[%swap3A_216, %swap3A_217], %add3A_215 {strides = array<i32>} : memref<1x1xf32, #tpu.memory_space<vmem>>, vector<1x1xf32>,
        %get3A_219 = arith.constant 0 : index
        %get3A_220 = arith.constant 0 : index
        %get3A_221 = vector.load %arg12[%get3A_219, %get3A_220] : memref<128x64xf32, #tpu.memory_space<vmem>>, vector<128x64xf32>
        %add3A_222 = arith.addf %get3A_221, %dot_general3A_196 : vector<128x64xf32>
        %swap3A_223 = arith.constant 0 : index
        %swap3A_224 = arith.constant 0 : index
        %swap3A_225 = vector.load %arg12[%swap3A_223, %swap3A_224] : memref<128x64xf32, #tpu.memory_space<vmem>>, vector<128x64xf32>
        tpu.vector_store %arg12[%swap3A_223, %swap3A_224], %add3A_222 {strides = array<i32>} : memref<128x64xf32, #tpu.memory_space<vmem>>, vector<128x64xf32>,
      } else {
      }
      %eq3A_206 = arith.constant 1 : i32
      %eq3A_207 = arith.cmpi eq, %arg0, %eq3A_206 : i32
      %convert_element_type3A_208 = arith.extui %eq3A_207 : i1 to i32
      %cond3A_209 = arith.constant 0 : i32
      %cond3A_210 = arith.cmpi ne, %convert_element_type3A_208, %cond3A_209 : i32
      scf.if %cond3A_210 {
        %get3A_211 = arith.constant 0 : index
        %get3A_212 = arith.constant 0 : index
        %get3A_213 = vector.load %arg7[%get3A_211, %get3A_212] : memref<1x1xf32, #tpu.memory_space<vmem>>, vector<1x1xf32>
        %mul3A_214 = arith.constant 1.05963814E-7 : f32
        %mul3A_215 = vector.broadcast %mul3A_214 : f32 to vector<1x1xf32>
        %mul3A_216 = arith.mulf %get3A_213, %mul3A_215 : vector<1x1xf32>
        %swap3A_217 = arith.constant 0 : index
        %swap3A_218 = arith.constant 0 : index
        %swap3A_219 = vector.load %arg7[%swap3A_217, %swap3A_218] : memref<1x1xf32, #tpu.memory_space<vmem>>, vector<1x1xf32>
        tpu.vector_store %arg7[%swap3A_217, %swap3A_218], %mul3A_216 {strides = array<i32>} : memref<1x1xf32, #tpu.memory_space<vmem>>, vector<1x1xf32>,
        %get3A_220 = arith.constant 0 : index
        %get3A_221 = arith.constant 0 : index
        %get3A_222 = vector.load %arg12[%get3A_220, %get3A_221] : memref<128x64xf32, #tpu.memory_space<vmem>>, vector<128x64xf32>
        %div3A = arith.constant 9.216000e+03 : f32
        %div3A_223 = vector.broadcast %div3A : f32 to vector<128x64xf32>
        %div3A_224 = arith.divf %get3A_222, %div3A_223 : vector<128x64xf32>
        %add3A_225 = arith.constant 1.000000e-10 : f32
        %add3A_226 = vector.broadcast %add3A_225 : f32 to vector<128x64xf32>
        %add3A_227 = arith.addf %div3A_224, %add3A_226 : vector<128x64xf32>
        %log3A = math.log %add3A_227 : vector<128x64xf32>
        %mul3A_228 = arith.mulf %div3A_224, %log3A : vector<128x64xf32>
        %reduce_sum3A_229 = vector.shape_cast %mul3A_228 : vector<128x64xf32> to vector<1x128x64xf32>
        %reduce_sum3A_230 = arith.constant dense<0.000000e+00> : vector<1xf32>
        %reduce_sum3A_231 = vector.multi_reduction <add>, %reduce_sum3A_229, %reduce_sum3A_230 [1, 2] : vector<1x128x64xf32> to vector<1xf32>
        %reduce_sum3A_232 = vector.shape_cast %reduce_sum3A_231 : vector<1xf32> to vector<1x1x1xf32>
        %reduce_sum3A_233 = vector.extract %reduce_sum3A_232[0, 0, 0] : f32 from vector<1x1x1xf32>
        %neg3A = arith.constant 0.000000e+00 : f32
        %neg3A_234 = arith.subf %neg3A, %reduce_sum3A_233 : f32
        %exp3A = math.exp %neg3A_234 : f32
        %broadcast_in_dim3A_235 = vector.broadcast %exp3A : f32 to vector<1x1xf32>
        %swap3A_236 = arith.constant 0 : index
        %swap3A_237 = arith.constant 0 : index
        %swap3A_238 = vector.load %arg8[%swap3A_236, %swap3A_237] : memref<1x1xf32, #tpu.memory_space<vmem>>, vector<1x1xf32>
        tpu.vector_store %arg8[%swap3A_236, %swap3A_237], %broadcast_in_dim3A_235 {strides = array<i32>} : memref<1x1xf32, #tpu.memory_space<vmem>>, vector<1x1xf32>,
      } else {
      }
    } else {
    }
    return
  }
  func.func @transform_0(%arg0: i32, %arg1: i32) -> (i32, i32) {
    %c0_i32 = arith.constant 0 : i32
    %c0_i32_0 = arith.constant 0 : i32
    return %arg0, %c0_i32 : i32, i32
  }
  func.func @transform_1(%arg0: i32, %arg1: i32) -> (i32, i32) {
    %c0_i32 = arith.constant 0 : i32
    %c0_i32_0 = arith.constant 0 : i32
    return %arg1, %c0_i32 : i32, i32
  }
  func.func @transform_2(%arg0: i32, %arg1: i32) -> (i32, i32) {
    %c0_i32 = arith.constant 0 : i32
    %c0_i32_0 = arith.constant 0 : i32
    return %c0_i32, %arg1 : i32, i32
  }
  func.func @transform_3(%arg0: i32, %arg1: i32) -> (i32, i32) {
    %c0_i32 = arith.constant 0 : i32
    %c0_i32_0 = arith.constant 0 : i32
    return %arg0, %c0_i32 : i32, i32
  }
  func.func @transform_4(%arg0: i32, %arg1: i32) -> (i32, i32) {
    %c0_i32 = arith.constant 0 : i32
    %c0_i32_0 = arith.constant 0 : i32
    return %arg0, %c0_i32 : i32, i32
  }
  func.func @transform_5(%arg0: i32, %arg1: i32) -> (i32, i32) {
    %c0_i32 = arith.constant 0 : i32
    %c0_i32_0 = arith.constant 0 : i32
    %c0_i32_1 = arith.constant 0 : i32
    return %c0_i32, %c0_i32_0 : i32, i32
  }
  func.func @transform_6(%arg0: i32, %arg1: i32) -> (i32, i32) {
    %c0_i32 = arith.constant 0 : i32
    %c0_i32_0 = arith.constant 0 : i32
    %c0_i32_1 = arith.constant 0 : i32
    return %c0_i32, %c0_i32_0 : i32, i32
  }
}

</mosaic_0001>

<sc_bundles>
// kernel: kernel.4.cloned.1.call-start
scs
__scs_entry_jumppad:
0x0: {  	(pc) =	sbr.rel $0x88, $3  }
0x1: {  	(tag) =	ssettag $0x0;
	lr =	simm.s32 $0x1  }
0x2: {  	[smem:$0x3F9F] =	sst lr;
	_ =	strace $0xD0000000  }
0x3: {  	_ = 	snop  }
0x4: {  	_ = 	snop  }
0x5: {  	_ = 	snop  }
0x6: {  	_ = 	snop  }
0x7: {  	_ = 	snop  }
__scs_overlays_trampoline_lowered:
0x8: {  	[smem:$0x3FAE] =	sst s0  }
0x9: {  	[smem:$0x3FAF] =	sst s1  }
0xa: {  	[smem:$0x3FB0] =	sst s2  }
0xb: {  	[smem:$0x3FB1] =	sst s3  }
0xc: {  	[smem:$0x3FB2] =	sst s4  }
0xd: {  	[smem:$0x3FB3] =	sst s5  }
0xe: {  	[smem:$0x3FB4] =	sst s6  }
0xf: {  	[smem:$0x3FB5] =	sst s7  }
0x10: {  	[smem:$0x3FB6] =	sst s8  }
0x11: {  	[smem:$0x3FB7] =	sst s9;
	s0 =	simm.s32 @!p0 $0x0  }
0x12: {  	s1 =	sld [smem:$0x3F9D];
	s0 =	simm.s32 @p0 $0x1  }
0x13: {  	[smem:$0x3FB8] =	sst s0;
	s0 =	simm.s32 @!p1 $0x0  }
0x14: {  	s2 =	sld [smem:$0x3F9C];
	s0 =	simm.s32 @p1 $0x1  }
0x15: {  	[smem:$0x3FB9] =	sst s0;
	s0 =	simm.s32 @!p2 $0x0  }
0x16: {  	s3 =	sld [smem:$0x3FDB];
	s0 =	simm.s32 @p2 $0x1  }
0x17: {  	s4 =	simm.s32 $0x1BF5;
	[smem:$0x3FBB] =	sst s0  }
0x18: {  	s0 =	sld [smem:$0x3F9E];
	_ =	swait.ge [sflag:s4], $0x0  }
0x19: {  	s7 =	sld [smem:$0x3F9F]  }
0x1a: {  	s8 =	sadd.s32 $0xFFFFE003, lr  }
0x1b: {  	s9 =	sadd.s32 $0xFFFFFEF7, lr;
	s5 =	simm.s32 $0xFFFFFFFF;
	p2 =	slt.u32 s8, $0xFFFFF086  }
0x1c: {  	p1 =	slt.u32 s9, $0xF7A;
	s5 =	simm.s32 @!p2 $0x0  }
0x1d: {  	s5 =	simm.s32 @p1 $0x1;
	p0 =	seq.s32 s7, s2  }
0x1e: {  	s7 =	smul.u32 @!p0 $0xF7A, s2;
	p2 =	seq.s32 @!p0 s5, $0x0  }
0x1f: {  	s9 =	smul.u32 $0xF7A, s1;
	s8 =	simm.s32 @!p0 $0x1BF5;
	p2 =	por !p2, p0  }
0x20: {  	[sflag:s8] =	ssyncset.s32 @!p0 $0xFFFFF086;
	s6 =	sadd.s32 @!p0 s3, s7;
	s7 =	simm.s32 @!p0 $0x108  }
0x21: {  	s3 =	sadd.s32 s3, s9;
	s6 =	sadd.s32 @!p0 $0x88, s6;
	s7 =	simm.s32 @p2 $0x1082  }
0x22: {  	[simem:s7], [sflag:s8] =	dma.local @!p0 [hbm:s6], $0xF7A  }
0x23: {  	s9 =	sor.u32 $0xD0000000, s2;
	s6 =	simm.s32 $0x108;
	_ =	swait.ge @!p0 [sflag:s8], $0x0  }
0x24: {  	s3 =	sadd.s32 $0x88, s3;
	s6 =	simm.s32 @!p1 $0x1082;
	[sflag:s4] =	ssyncset.s32 $0xFFFFF086  }
0x25: {  	[simem:s6], [sflag:s4] =	dma.local [hbm:s3], $0xF7A  }
0x26: {  	[smem:$0x3F9F] =	sst s1;
	(tag) =	ssettag s2;
	_ =	strace s9  }
0x27: {  	s1 =	sld [smem:$0x3FAF]  }
0x28: {  	s2 =	sld [smem:$0x3FB0]  }
0x29: {  	s4 =	sld [smem:$0x3FB2]  }
0x2a: {  	p0 =	seq.s32 s5, $0x0;
	s5 =	sld [smem:$0x3FB3]  }
0x2b: {  	s6 =	sld [smem:$0x3FB4]  }
0x2c: {  	s7 =	sld [smem:$0x3FB5]  }
0x2d: {  	s3 =	simm.s32 $0x108;
	s8 =	sld [smem:$0x3FB6]  }
0x2e: {  	s3 =	simm.s32 @!p0 $0x1082;
	s9 =	sld [smem:$0x3FB7]  }
0x2f: {  	lr =	sadd.s32 s0, s3;
	s0 =	sld [smem:$0x3FAE]  }
0x30: {  	s3 =	sld [smem:$0x3FB1]  }
0x31: {  	[smem:$0x3FBA] =	sst s10  }
0x32: {  	s10 =	sld [smem:$0x3FB8];
	_ =	sdelay $0x3  }
0x33: {  	p0 =	seq.s32 s10, $0x1;
	s10 =	sld [smem:$0x3FBA];
	_ =	sdelay $0x3  }
0x34: {  	[smem:$0x3FBA] =	sst s10  }
0x35: {  	s10 =	sld [smem:$0x3FB9];
	_ =	sdelay $0x3  }
0x36: {  	p1 =	seq.s32 s10, $0x1;
	s10 =	sld [smem:$0x3FBA];
	_ =	sdelay $0x3  }
0x37: {  	[smem:$0x3FBA] =	sst s10  }
0x38: {  	s10 =	sld [smem:$0x3FBB]  }
0x39: {  	_ = 	snop;
	(pc) =	sbr.ind lr, $3  }
0x3a: {  	_ = 	snop  }
0x3b: {  	_ = 	snop  }
0x3c: {  	p2 =	seq.s32 s10, $0x1;
	s10 =	sld [smem:$0x3FBA]  }
0x3d: {  	_ =	shalt  }
0x3e: {  	_ =	shalt  }
0x3f: {  	_ =	shalt  }
0x40: {  	_ =	shalt  }
0x41: {  	_ =	shalt  }
0x42: {  	_ =	shalt  }
0x43: {  	_ =	shalt  }
0x44: {  	_ =	shalt  }
0x45: {  	_ =	shalt  }
0x46: {  	_ =	shalt  }
0x47: {  	_ =	shalt  }
0x48: {  	_ =	shalt  }
0x49: {  	_ =	shalt  }
0x4a: {  	_ =	shalt  }
0x4b: {  	_ =	shalt  }
0x4c: {  	_ =	shalt  }
0x4d: {  	_ =	shalt  }
0x4e: {  	_ =	shalt  }
0x4f: {  	_ =	shalt  }
0x50: {  	_ =	shalt  }
0x51: {  	_ =	shalt  }
0x52: {  	_ =	shalt  }
0x53: {  	_ =	shalt  }
0x54: {  	_ =	shalt  }
0x55: {  	_ =	shalt  }
0x56: {  	_ =	shalt  }
0x57: {  	_ =	shalt  }
0x58: {  	_ =	shalt  }
0x59: {  	_ =	shalt  }
0x5a: {  	_ =	shalt  }
0x5b: {  	_ =	shalt  }
0x5c: {  	_ =	shalt  }
0x5d: {  	_ =	shalt  }
0x5e: {  	_ =	shalt  }
0x5f: {  	_ =	shalt  }
0x60: {  	_ =	shalt  }
0x61: {  	_ =	shalt  }
0x62: {  	_ =	shalt  }
0x63: {  	_ =	shalt  }
0x64: {  	_ =	shalt  }
0x65: {  	_ =	shalt  }
0x66: {  	_ =	shalt  }
0x67: {  	_ =	shalt  }
0x68: {  	_ =	shalt  }
0x69: {  	_ =	shalt  }
0x6a: {  	_ =	shalt  }
0x6b: {  	_ =	shalt  }
0x6c: {  	_ =	shalt  }
0x6d: {  	_ =	shalt  }
0x6e: {  	_ =	shalt  }
0x6f: {  	_ =	shalt  }
0x70: {  	_ =	shalt  }
0x71: {  	_ =	shalt  }
0x72: {  	_ =	shalt  }
0x73: {  	_ =	shalt  }
0x74: {  	_ =	shalt  }
0x75: {  	_ =	shalt  }
0x76: {  	_ =	shalt  }
0x77: {  	_ =	shalt  }
0x78: {  	_ =	shalt  }
0x79: {  	_ =	shalt  }
0x7a: {  	_ =	shalt  }
0x7b: {  	_ =	shalt  }
0x7c: {  	_ =	shalt  }
0x7d: {  	_ =	shalt  }
0x7e: {  	_ =	shalt  }
0x7f: {  	_ =	shalt  }
0x80: {  	_ =	shalt  }
0x81: {  	_ =	shalt  }
0x82: {  	_ =	shalt  }
0x83: {  	_ =	shalt  }
0x84: {  	_ =	shalt  }
0x85: {  	_ =	shalt  }
0x86: {  	_ =	shalt  }
0x87: {  	_ =	shalt  }
.Lfunc_end0:
.L_simem_size_0:
called_computation_lowered:
.L_overlay_start_0:
0x88: {  	s2 =	sld [smem:$0x3FD9]  }
0x89: {  	s3 =	sld [smem:$0x3FFE];
	_ =	sdelay $0x1  }
0x8a: {  	s1 =	srdreg.scid  }
0x8b: {  	s0 =	sand.u32 $0x1, s1  }
0x8c: {  	s14 =	sshll.u32 s0, $0xA;
	s2 =	sadd.s32 s3, s2  }
0x8d: {  	s2 =	sadd.s32 s2, s14  }
0x8e: {  	[smem:$0x3FC6] =	sst s2  }
0x8f: {  	_ = 	snop  }
0x90: {  	s2 =	sld [smem:$0x3FD0];
	_ =	sdelay $0x2  }
0x91: {  	s15 =	simm.s32 $0xA;
	s4 =	simm.s32 $0x10  }
0x92: {  	[smem:s4], [sflag:s15] =	dma.local [hbm:s2], $0x1  }
0x93: {  	_ =	swait.eq [sflag:s15], $0x1  }
0x94: {  	[sflag:s15] =	ssyncset.done $0x0  }
0x95: {  	[sflag:s15] =	ssyncadd.s32 $0xFFFFFFFF  }
0x96: {  	s16 =	sld [smem:$0x10];
	(tm) =	ssettm $0x1  }
0x97: {  	s17 =	sld [smem:$0x3FFB];
	_ =	sdelay $0x3  }
0x98: {  	_ =	strace s17  }
0x99: {  	s3 =	sld [smem:$0x3FFC];
	_ =	sdelay $0x3  }
0x9a: {  	_ =	strace s3  }
0x9b: {  	s3 =	sld [smem:$0x3FFD];
	_ =	sdelay $0x3  }
0x9c: {  	_ =	strace s3  }
0x9d: {  	_ =	strace $0x8FFFFFFF  }
0x9e: {  	s18 =	sld [smem:$0x3FDB];
	_ =	sdelay $0x1  }
0x9f: {  	s19 =	simm.s32 $_scs_section_size  }
0xa0: {  	s5 =	simm.s32 $_size__tile_overlayer_lowered;
	s6 =	simm.s32 $_tile_overlayer_lowered  }
0xa1: {  	s22 =	simm.s32 $0x1BFF;
	s21 =	sshll.u32 s6, $0x1;
	s3 =	sadd.s32 s19, s18  }
0xa2: {  	s7 =	simm.s32 $0x0;
	s20 =	sshll.u32 s5, $0x1;
	s5 =	sadd.s32 s21, s3  }
0xa3: {  	[timem:s7], [sflag:s22] =	dma.local [hbm:s5], s20  }
0xa4: {  	_ =	swait.ge [sflag:s22], s20  }
0xa5: {  	s4 =	ssub.s32 $0x0, s20;
	[sflag:s22] =	ssyncset.done $0x0  }
0xa6: {  	[sflag:s22] =	ssyncadd.s32 s4;
	_ =	sdelay $0x1  }
0xa7: {  	s23 =	simm.s32 $0x1B8B  }
0xa8: {  	_ =	swait.ge [sflag:s23], $0x1  }
0xa9: {  	[sflag:s23] =	ssyncset.done $0x0  }
0xaa: {  	s25 =	simm.s32 $0x1B8E;
	s24 =	sld [smem:$0x3FFE];
	[sflag:s23] =	ssyncadd.s32 $0xFFFFFFFF  }
0xab: {  	s26 =	simm.s32 $execute0_lowered;
	[smem:$0x3FD2] =	sst s25  }
0xac: {  	s5 =	sshll.u32 s26, $0x1;
	_ =	strace $0x80000046;
	[dreg:$0x1] =	wrdreg $0xFFFFFFFF  }
0xad: {  	s28 =	simm.s32 $_size_execute0_lowered;
	s3 =	sadd.s32 s3, s5;
	[dreg:$0x0] =	wrdreg $0x0  }
0xae: {  	s5 =	sshll.u32 s28, $0x1;
	[dreg:$0x2] =	wrdreg s3  }
0xaf: {  	[dreg:$0x3] =	wrdreg s5  }
0xb0: {  	[dreg:$0x4] =	wrdreg $0xC0  }
0xb1: {  	_ =	task [dreg:s7], $0x5FFFF  }
0xb2: {  	[dreg:$0x1] =	wrdreg $0xFFFFFFFF  }
0xb3: {  	[dreg:$0x0] =	wrdreg $0x60  }
0xb4: {  	[dreg:$0x2] =	wrdreg s24  }
0xb5: {  	[dreg:$0x3] =	wrdreg s16  }
0xb6: {  	[dreg:$0x4] =	wrdreg $0x9  }
0xb7: {  	_ =	task.clear_ibuf [dreg:s7], $0x5FFFF;
	_ =	strace $0x90000046  }
0xb8: {  	s29 =	simm.s32 $0x9;
	_ =	strace $0x80000048  }
0xb9: {  	_ =	swait.ge [sflag:s29], $0x1  }
0xba: {  	[sflag:s29] =	ssyncadd.s32 $0xFFFFFFFF  }
0xbb: {  	_ =	strace $0x90000048  }
0xbc: {  	_ =	sfence  }
0xbd: {  	s30 =	sld [smem:$0x0];
	_ =	sdelay $0x2  }
0xbe: {  	s31 =	sshll.u32 s1, $0xD;
	s1 =	sshrl.u32 s1, $0x2  }
0xbf: {  	s3 =	sand.u32 $0x4000, s31;
	s1 =	sadd.s32 s1, s30  }
0xc0: {  	s0 =	sor.u32 s3, s0;
	s1 =	sshll.u32 s1, $0x11  }
0xc1: {  	s0 =	sor.u32 s1, s0  }
0xc2: {  	s0 =	sadd.s32 $0x8F2B, s0  }
0xc3: {  	[sflag:s0] =	ssyncadd.remote.s32 $0x1  }
0xc4: {  	_ =	sfence.sel $0xFFFF  }
0xc5: {  	[dreg:$0x0] =	wrdreg $0xFFFFFFFF;
	(pc) =	sbr.abs _section_cstart, $3  }
0xc6: {  	[dreg:$0x1] =	wrdreg $0xFFFFFFFF  }
0xc7: {  	_ =	task.clear_ibuf [dreg:s7], $0x2FFFF;
	_ =	strace $0x9FFFFFFF  }
0xc8: {  	(tm) =	ssettm $0x7FFFFFFF  }
0xc9: {  	_ =	shalt  }
tec
execute0_lowered:
.L_overlay_start_1:
0x0: {  	(tag) =	ssettag $0x1  }
0x1: {  	s1 =	srdreg.scid  }
0x2: {  	s0 =	stileid.u32;
	s2 =	rddreg [dreg:$0x0]  }
0x3: {  	s5 =	rddreg [dreg:$0x1];
	s15 =	simm.s32 $0x980;
	s16 =	simm.s32 $0x1180  }
0x4: {  	s17 =	simm.s32 $0x1980;
	s1 =	sand.u32 $0x1, s1;
	s3 =	sshll.u32 s0, $0x1  }
0x5: {  	s18 =	simm.s32 $0x2180;
	s4 =	sor.u32 s1, s3;
	s3 =	simm.s32 $0x0  }
0x6: {  	s19 =	simm.s32 $0x2980;
	s20 =	simm.s32 $0x3180;
	[smem:$0x7FF] =	sst s3  }
0x7: {  	s21 =	simm.s32 $0x3980;
	_ =	strace $0x80000047;
	[dreg:$0x5] =	wrdreg s15  }
0x8: {  	s23 =	simm.s32 $0x4180;
	s24 =	simm.s32 $0x4980;
	[dreg:$0x6] =	wrdreg s16  }
0x9: {  	s25 =	simm.s32 $0x5180;
	s26 =	simm.s32 $0x5980;
	[dreg:$0x7] =	wrdreg s17  }
0xa: {  	s8 =	simm.s32 $0x6980;
	s9 =	simm.s32 $0x7180;
	[dreg:$0x8] =	wrdreg s18  }
0xb: {  	s10 =	simm.s32 $0x7980;
	s11 =	simm.s32 $0x8180;
	[dreg:$0x9] =	wrdreg s19  }
0xc: {  	s12 =	simm.s32 $0x8980;
	s13 =	simm.s32 $0x9180;
	[dreg:$0xa] =	wrdreg s20  }
0xd: {  	s14 =	simm.s32 $0x9980;
	s28 =	simm.s32 $0x10180;
	[dreg:$0xb] =	wrdreg s21  }
0xe: {  	s29 =	simm.s32 $0x10980;
	s30 =	simm.s32 $0x11180;
	[dreg:$0xc] =	wrdreg s23  }
0xf: {  	s31 =	simm.s32 $0x11980;
	s1 =	ssub.s32 $0x2, s1;
	[dreg:$0xd] =	wrdreg s24  }
0x10: {  	s6 =	smul.u32 $0x24, s4;
	s22 =	sshrl.u32 s1, $0x1;
	[dreg:$0xe] =	wrdreg s25  }
0x11: {  	s4 =	smul.u32 $0x2400, s4;
	s1 =	ssub.s32 s1, s22;
	[dreg:$0xf] =	wrdreg s26  }
0x12: {  	s15 =	simm.s32 $0xA180;
	s16 =	simm.s32 $0xA980;
	s17 =	simm.s32 $0xB180  }
0x13: {  	s18 =	simm.s32 $0xB980;
	s19 =	simm.s32 $0xC180;
	s20 =	simm.s32 $0xC980  }
0x14: {  	s21 =	simm.s32 $0xD180;
	s22 =	simm.s32 $0xD980;
	s23 =	simm.s32 $0xE180  }
0x15: {  	s24 =	simm.s32 $0xE980;
	s25 =	simm.s32 $0xF180;
	s26 =	simm.s32 $0xF980  }
0x16: {  	v2 =	vlaneseq.u32;
	s6 =	sadd.s32 s6, s2;
	s4 =	sadd.s32 s5, s4;
	s5 =	simm.s32 $0x2  }
0x17: {  	vm0 =	vmmov $0xffff;
	v1 =	vshrl.u32 v2, $0x3;
	s6 =	sadd.s32 $0x40000, s6;
	[dreg:$0x4] =	wrdreg s4;
	s4 =	smax.u32 s1, $0x1  }
0x18: {  	v0 =	vand.u32 $0x7, v2;
	v2 =	vor.u32 $0x8, v2;
	v1 =	vmul.u32 $0x8, v1;
	s1 =	simm.s32 $0x1;
	[dreg:$0x3] =	wrdreg s6;
	s6 =	simm.s32 $0x180  }
.LBB2_1:
0x19: {  	s0 =	rddreg [dreg:$0x3]  }
0x1a: {  	[tilespmem:s3], [sflag:$0x2] =	stream.linear.gather [hbm4b:s0+s3], $0x120, $0x38;
	[tilespmem:$0x12180] =	vst v63  }
0x1b: {  	_ =	swait.ge [sflag:s5], $0x120  }
0x1c: {  	[sflag:s5] =	ssyncset.done $0x0  }
0x1d: {  	[sflag:s5] =	ssyncadd.s32 $0xFFFFFEE0  }
0x1e: {  	v3 =	vld [tilespmem:$0x0];
	_ =	sdelay $0x4  }
0x1f: {  	v4 =	vshll.u32 v3, $0x1  }
0x20: {  	v3 =	vand.u32 $0x7, v3;
	v4 =	vand.u32 $0xFFFFFFF0, v4  }
0x21: {  	v3 =	vor.u32 v3, v4  }
0x22: {  	v4 =	vperm.xlane v3, v0;
	_ =	sdelay $0x1  }
0x23: {  	v3 =	vperm.xlane v3, v2;
	v4 =	vadd.s32 v1, v4;
	_ =	sdelay $0x1  }
0x24: {  	v3 =	vadd.s32 v1, v3;
	_ =	sdelay $0x2  }
0x25: {  	[tilespmem:s6], [sflag:$0x1] =	stream.indirect_vreg.gather [hbm4b:s2+s3], $0x80, v4, vm0, $0xb8;
	[tilespmem:$0x12180] =	vst v63  }
0x26: {  	s7 =	rddreg [dreg:$0x5]  }
0x27: {  	[tilespmem:s7], [sflag:$0x1] =	stream.indirect_vreg.gather [hbm4b:s2+s3], $0x80, v3, vm0, $0xb8;
	[tilespmem:$0x12180] =	vst v63  }
0x28: {  	v3 =	vld [tilespmem:$0x10];
	_ =	sdelay $0x4  }
0x29: {  	v47 =	vshll.u32 v3, $0x1  }
0x2a: {  	v3 =	vand.u32 $0x7, v3;
	v4 =	vand.u32 $0xFFFFFFF0, v47  }
0x2b: {  	v3 =	vor.u32 v3, v4  }
0x2c: {  	v4 =	vperm.xlane v3, v0;
	_ =	sdelay $0x1  }
0x2d: {  	v3 =	vperm.xlane v3, v2;
	v4 =	vadd.s32 v1, v4;
	_ =	sdelay $0x1  }
0x2e: {  	v3 =	vadd.s32 v1, v3;
	_ =	sdelay $0x1  }
0x2f: {  	s0 =	rddreg [dreg:$0x6]  }
0x30: {  	[tilespmem:s0], [sflag:$0x1] =	stream.indirect_vreg.gather [hbm4b:s2+s3], $0x80, v4, vm0, $0xb8;
	[tilespmem:$0x12180] =	vst v63  }
0x31: {  	s7 =	rddreg [dreg:$0x7]  }
0x32: {  	[tilespmem:s7], [sflag:$0x1] =	stream.indirect_vreg.gather [hbm4b:s2+s3], $0x80, v3, vm0, $0xb8;
	[tilespmem:$0x12180] =	vst v63  }
0x33: {  	v3 =	vld [tilespmem:$0x20];
	_ =	sdelay $0x4  }
0x34: {  	v48 =	vshll.u32 v3, $0x1  }
0x35: {  	v3 =	vand.u32 $0x7, v3;
	v4 =	vand.u32 $0xFFFFFFF0, v48  }
0x36: {  	v3 =	vor.u32 v3, v4  }
0x37: {  	v4 =	vperm.xlane v3, v0;
	_ =	sdelay $0x1  }
0x38: {  	v3 =	vperm.xlane v3, v2;
	v4 =	vadd.s32 v1, v4;
	_ =	sdelay $0x1  }
0x39: {  	v3 =	vadd.s32 v1, v3;
	_ =	sdelay $0x1  }
0x3a: {  	s0 =	rddreg [dreg:$0x8]  }
0x3b: {  	[tilespmem:s0], [sflag:$0x1] =	stream.indirect_vreg.gather [hbm4b:s2+s3], $0x80, v4, vm0, $0xb8;
	[tilespmem:$0x12180] =	vst v63  }
0x3c: {  	s7 =	rddreg [dreg:$0x9]  }
0x3d: {  	[tilespmem:s7], [sflag:$0x1] =	stream.indirect_vreg.gather [hbm4b:s2+s3], $0x80, v3, vm0, $0xb8;
	[tilespmem:$0x12180] =	vst v63  }
0x3e: {  	v3 =	vld [tilespmem:$0x30];
	_ =	sdelay $0x4  }
0x3f: {  	v49 =	vshll.u32 v3, $0x1  }
0x40: {  	v3 =	vand.u32 $0x7, v3;
	v4 =	vand.u32 $0xFFFFFFF0, v49  }
0x41: {  	v3 =	vor.u32 v3, v4  }
0x42: {  	v4 =	vperm.xlane v3, v0;
	_ =	sdelay $0x1  }
0x43: {  	v3 =	vperm.xlane v3, v2;
	v4 =	vadd.s32 v1, v4;
	_ =	sdelay $0x1  }
0x44: {  	v3 =	vadd.s32 v1, v3;
	_ =	sdelay $0x1  }
0x45: {  	s0 =	rddreg [dreg:$0xa]  }
0x46: {  	[tilespmem:s0], [sflag:$0x1] =	stream.indirect_vreg.gather [hbm4b:s2+s3], $0x80, v4, vm0, $0xb8;
	[tilespmem:$0x12180] =	vst v63  }
0x47: {  	s7 =	rddreg [dreg:$0xb]  }
0x48: {  	[tilespmem:s7], [sflag:$0x1] =	stream.indirect_vreg.gather [hbm4b:s2+s3], $0x80, v3, vm0, $0xb8;
	[tilespmem:$0x12180] =	vst v63  }
0x49: {  	v3 =	vld [tilespmem:$0x40];
	_ =	sdelay $0x4  }
0x4a: {  	v50 =	vshll.u32 v3, $0x1  }
0x4b: {  	v3 =	vand.u32 $0x7, v3;
	v4 =	vand.u32 $0xFFFFFFF0, v50  }
0x4c: {  	v3 =	vor.u32 v3, v4  }
0x4d: {  	v4 =	vperm.xlane v3, v0;
	_ =	sdelay $0x1  }
0x4e: {  	v3 =	vperm.xlane v3, v2;
	v4 =	vadd.s32 v1, v4;
	_ =	sdelay $0x1  }
0x4f: {  	v3 =	vadd.s32 v1, v3;
	_ =	sdelay $0x1  }
0x50: {  	s0 =	rddreg [dreg:$0xc]  }
0x51: {  	[tilespmem:s0], [sflag:$0x1] =	stream.indirect_vreg.gather [hbm4b:s2+s3], $0x80, v4, vm0, $0xb8;
	[tilespmem:$0x12180] =	vst v63  }
0x52: {  	s7 =	rddreg [dreg:$0xd]  }
0x53: {  	[tilespmem:s7], [sflag:$0x1] =	stream.indirect_vreg.gather [hbm4b:s2+s3], $0x80, v3, vm0, $0xb8;
	[tilespmem:$0x12180] =	vst v63  }
0x54: {  	v3 =	vld [tilespmem:$0x50];
	_ =	sdelay $0x4  }
0x55: {  	v51 =	vshll.u32 v3, $0x1  }
0x56: {  	v3 =	vand.u32 $0x7, v3;
	v4 =	vand.u32 $0xFFFFFFF0, v51  }
0x57: {  	v3 =	vor.u32 v3, v4  }
0x58: {  	v4 =	vperm.xlane v3, v0;
	_ =	sdelay $0x1  }
0x59: {  	v3 =	vperm.xlane v3, v2;
	v4 =	vadd.s32 v1, v4;
	_ =	sdelay $0x1  }
0x5a: {  	v3 =	vadd.s32 v1, v3;
	_ =	sdelay $0x1  }
0x5b: {  	s0 =	rddreg [dreg:$0xe]  }
0x5c: {  	[tilespmem:s0], [sflag:$0x1] =	stream.indirect_vreg.gather [hbm4b:s2+s3], $0x80, v4, vm0, $0xb8;
	[tilespmem:$0x12180] =	vst v63  }
0x5d: {  	s7 =	rddreg [dreg:$0xf]  }
0x5e: {  	[tilespmem:s7], [sflag:$0x1] =	stream.indirect_vreg.gather [hbm4b:s2+s3], $0x80, v3, vm0, $0xb8;
	[tilespmem:$0x12180] =	vst v63  }
0x5f: {  	v3 =	vld [tilespmem:$0x60];
	_ =	sdelay $0x4  }
0x60: {  	v52 =	vshll.u32 v3, $0x1  }
0x61: {  	v3 =	vand.u32 $0x7, v3;
	v4 =	vand.u32 $0xFFFFFFF0, v52  }
0x62: {  	v3 =	vor.u32 v3, v4  }
0x63: {  	v4 =	vperm.xlane v3, v0;
	_ =	sdelay $0x1  }
0x64: {  	v3 =	vperm.xlane v3, v2;
	v4 =	vadd.s32 v1, v4;
	_ =	sdelay $0x1  }
0x65: {  	v3 =	vadd.s32 v1, v3;
	_ =	sdelay $0x1  }
0x66: {  	s7 =	simm.s32 $0x6180  }
0x67: {  	[tilespmem:s7], [sflag:$0x1] =	stream.indirect_vreg.gather [hbm4b:s2+s3], $0x80, v4, vm0, $0xb8;
	[tilespmem:$0x12180] =	vst v63  }
0x68: {  	_ = 	snop  }
0x69: {  	[tilespmem:s8], [sflag:$0x1] =	stream.indirect_vreg.gather [hbm4b:s2+s3], $0x80, v3, vm0, $0xb8;
	[tilespmem:$0x12180] =	vst v63  }
0x6a: {  	v3 =	vld [tilespmem:$0x70];
	_ =	sdelay $0x4  }
0x6b: {  	v53 =	vshll.u32 v3, $0x1  }
0x6c: {  	v3 =	vand.u32 $0x7, v3;
	v4 =	vand.u32 $0xFFFFFFF0, v53  }
0x6d: {  	v3 =	vor.u32 v3, v4  }
0x6e: {  	v4 =	vperm.xlane v3, v0;
	_ =	sdelay $0x1  }
0x6f: {  	v3 =	vperm.xlane v3, v2;
	v4 =	vadd.s32 v1, v4;
	_ =	sdelay $0x1  }
0x70: {  	v3 =	vadd.s32 v1, v3;
	_ =	sdelay $0x2  }
0x71: {  	[tilespmem:s9], [sflag:$0x1] =	stream.indirect_vreg.gather [hbm4b:s2+s3], $0x80, v4, vm0, $0xb8;
	[tilespmem:$0x12180] =	vst v63  }
0x72: {  	_ = 	snop  }
0x73: {  	[tilespmem:s10], [sflag:$0x1] =	stream.indirect_vreg.gather [hbm4b:s2+s3], $0x80, v3, vm0, $0xb8;
	[tilespmem:$0x12180] =	vst v63  }
0x74: {  	v3 =	vld [tilespmem:$0x80];
	_ =	sdelay $0x4  }
0x75: {  	v54 =	vshll.u32 v3, $0x1  }
0x76: {  	v3 =	vand.u32 $0x7, v3;
	v4 =	vand.u32 $0xFFFFFFF0, v54  }
0x77: {  	v3 =	vor.u32 v3, v4  }
0x78: {  	v4 =	vperm.xlane v3, v0;
	_ =	sdelay $0x1  }
0x79: {  	v3 =	vperm.xlane v3, v2;
	v4 =	vadd.s32 v1, v4;
	_ =	sdelay $0x1  }
0x7a: {  	v3 =	vadd.s32 v1, v3;
	_ =	sdelay $0x2  }
0x7b: {  	[tilespmem:s11], [sflag:$0x1] =	stream.indirect_vreg.gather [hbm4b:s2+s3], $0x80, v4, vm0, $0xb8;
	[tilespmem:$0x12180] =	vst v63  }
0x7c: {  	_ = 	snop  }
0x7d: {  	[tilespmem:s12], [sflag:$0x1] =	stream.indirect_vreg.gather [hbm4b:s2+s3], $0x80, v3, vm0, $0xb8;
	[tilespmem:$0x12180] =	vst v63  }
0x7e: {  	v3 =	vld [tilespmem:$0x90];
	_ =	sdelay $0x4  }
0x7f: {  	v55 =	vshll.u32 v3, $0x1  }
0x80: {  	v3 =	vand.u32 $0x7, v3;
	v4 =	vand.u32 $0xFFFFFFF0, v55  }
0x81: {  	v3 =	vor.u32 v3, v4  }
0x82: {  	v4 =	vperm.xlane v3, v0;
	_ =	sdelay $0x1  }
0x83: {  	v3 =	vperm.xlane v3, v2;
	v4 =	vadd.s32 v1, v4;
	_ =	sdelay $0x1  }
0x84: {  	v3 =	vadd.s32 v1, v3;
	_ =	sdelay $0x2  }
0x85: {  	[tilespmem:s13], [sflag:$0x1] =	stream.indirect_vreg.gather [hbm4b:s2+s3], $0x80, v4, vm0, $0xb8;
	[tilespmem:$0x12180] =	vst v63  }
0x86: {  	_ = 	snop  }
0x87: {  	[tilespmem:s14], [sflag:$0x1] =	stream.indirect_vreg.gather [hbm4b:s2+s3], $0x80, v3, vm0, $0xb8;
	[tilespmem:$0x12180] =	vst v63  }
0x88: {  	v3 =	vld [tilespmem:$0xA0];
	_ =	sdelay $0x4  }
0x89: {  	v56 =	vshll.u32 v3, $0x1  }
0x8a: {  	v3 =	vand.u32 $0x7, v3;
	v4 =	vand.u32 $0xFFFFFFF0, v56  }
0x8b: {  	v3 =	vor.u32 v3, v4  }
0x8c: {  	v4 =	vperm.xlane v3, v0;
	_ =	sdelay $0x1  }
0x8d: {  	v3 =	vperm.xlane v3, v2;
	v4 =	vadd.s32 v1, v4;
	_ =	sdelay $0x1  }
0x8e: {  	v3 =	vadd.s32 v1, v3;
	_ =	sdelay $0x2  }
0x8f: {  	[tilespmem:s15], [sflag:$0x1] =	stream.indirect_vreg.gather [hbm4b:s2+s3], $0x80, v4, vm0, $0xb8;
	[tilespmem:$0x12180] =	vst v63  }
0x90: {  	_ = 	snop  }
0x91: {  	[tilespmem:s16], [sflag:$0x1] =	stream.indirect_vreg.gather [hbm4b:s2+s3], $0x80, v3, vm0, $0xb8;
	[tilespmem:$0x12180] =	vst v63  }
0x92: {  	v3 =	vld [tilespmem:$0xB0];
	_ =	sdelay $0x4  }
0x93: {  	v57 =	vshll.u32 v3, $0x1  }
0x94: {  	v3 =	vand.u32 $0x7, v3;
	v4 =	vand.u32 $0xFFFFFFF0, v57  }
0x95: {  	v3 =	vor.u32 v3, v4  }
0x96: {  	v4 =	vperm.xlane v3, v0;
	_ =	sdelay $0x1  }
0x97: {  	v3 =	vperm.xlane v3, v2;
	v4 =	vadd.s32 v1, v4;
	_ =	sdelay $0x1  }
0x98: {  	v3 =	vadd.s32 v1, v3;
	_ =	sdelay $0x2  }
0x99: {  	[tilespmem:s17], [sflag:$0x1] =	stream.indirect_vreg.gather [hbm4b:s2+s3], $0x80, v4, vm0, $0xb8;
	[tilespmem:$0x12180] =	vst v63  }
0x9a: {  	_ = 	snop  }
0x9b: {  	[tilespmem:s18], [sflag:$0x1] =	stream.indirect_vreg.gather [hbm4b:s2+s3], $0x80, v3, vm0, $0xb8;
	[tilespmem:$0x12180] =	vst v63  }
0x9c: {  	v3 =	vld [tilespmem:$0xC0];
	_ =	sdelay $0x4  }
0x9d: {  	v58 =	vshll.u32 v3, $0x1  }
0x9e: {  	v3 =	vand.u32 $0x7, v3;
	v4 =	vand.u32 $0xFFFFFFF0, v58  }
0x9f: {  	v3 =	vor.u32 v3, v4  }
0xa0: {  	v4 =	vperm.xlane v3, v0;
	_ =	sdelay $0x1  }
0xa1: {  	v3 =	vperm.xlane v3, v2;
	v4 =	vadd.s32 v1, v4;
	_ =	sdelay $0x1  }
0xa2: {  	v3 =	vadd.s32 v1, v3;
	_ =	sdelay $0x2  }
0xa3: {  	[tilespmem:s19], [sflag:$0x1] =	stream.indirect_vreg.gather [hbm4b:s2+s3], $0x80, v4, vm0, $0xb8;
	[tilespmem:$0x12180] =	vst v63  }
0xa4: {  	_ = 	snop  }
0xa5: {  	[tilespmem:s20], [sflag:$0x1] =	stream.indirect_vreg.gather [hbm4b:s2+s3], $0x80, v3, vm0, $0xb8;
	[tilespmem:$0x12180] =	vst v63  }
0xa6: {  	v3 =	vld [tilespmem:$0xD0];
	_ =	sdelay $0x4  }
0xa7: {  	v59 =	vshll.u32 v3, $0x1  }
0xa8: {  	v3 =	vand.u32 $0x7, v3;
	v4 =	vand.u32 $0xFFFFFFF0, v59  }
0xa9: {  	v3 =	vor.u32 v3, v4  }
0xaa: {  	v4 =	vperm.xlane v3, v0;
	_ =	sdelay $0x1  }
0xab: {  	v3 =	vperm.xlane v3, v2;
	v4 =	vadd.s32 v1, v4;
	_ =	sdelay $0x1  }
0xac: {  	v3 =	vadd.s32 v1, v3;
	_ =	sdelay $0x2  }
0xad: {  	[tilespmem:s21], [sflag:$0x1] =	stream.indirect_vreg.gather [hbm4b:s2+s3], $0x80, v4, vm0, $0xb8;
	[tilespmem:$0x12180] =	vst v63  }
0xae: {  	_ = 	snop  }
0xaf: {  	[tilespmem:s22], [sflag:$0x1] =	stream.indirect_vreg.gather [hbm4b:s2+s3], $0x80, v3, vm0, $0xb8;
	[tilespmem:$0x12180] =	vst v63  }
0xb0: {  	v3 =	vld [tilespmem:$0xE0];
	_ =	sdelay $0x4  }
0xb1: {  	v60 =	vshll.u32 v3, $0x1  }
0xb2: {  	v3 =	vand.u32 $0x7, v3;
	v4 =	vand.u32 $0xFFFFFFF0, v60  }
0xb3: {  	v3 =	vor.u32 v3, v4  }
0xb4: {  	v4 =	vperm.xlane v3, v0;
	_ =	sdelay $0x1  }
0xb5: {  	v3 =	vperm.xlane v3, v2;
	v4 =	vadd.s32 v1, v4;
	_ =	sdelay $0x1  }
0xb6: {  	v3 =	vadd.s32 v1, v3;
	_ =	sdelay $0x2  }
0xb7: {  	[tilespmem:s23], [sflag:$0x1] =	stream.indirect_vreg.gather [hbm4b:s2+s3], $0x80, v4, vm0, $0xb8;
	[tilespmem:$0x12180] =	vst v63  }
0xb8: {  	_ = 	snop  }
0xb9: {  	[tilespmem:s24], [sflag:$0x1] =	stream.indirect_vreg.gather [hbm4b:s2+s3], $0x80, v3, vm0, $0xb8;
	[tilespmem:$0x12180] =	vst v63  }
0xba: {  	v3 =	vld [tilespmem:$0xF0];
	_ =	sdelay $0x4  }
0xbb: {  	v61 =	vshll.u32 v3, $0x1  }
0xbc: {  	v3 =	vand.u32 $0x7, v3;
	v4 =	vand.u32 $0xFFFFFFF0, v61  }
0xbd: {  	v3 =	vor.u32 v3, v4  }
0xbe: {  	v4 =	vperm.xlane v3, v0;
	_ =	sdelay $0x1  }
0xbf: {  	v3 =	vperm.xlane v3, v2;
	v4 =	vadd.s32 v1, v4;
	_ =	sdelay $0x1  }
0xc0: {  	v3 =	vadd.s32 v1, v3;
	_ =	sdelay $0x2  }
0xc1: {  	[tilespmem:s25], [sflag:$0x1] =	stream.indirect_vreg.gather [hbm4b:s2+s3], $0x80, v4, vm0, $0xb8;
	[tilespmem:$0x12180] =	vst v63  }
0xc2: {  	_ = 	snop  }
0xc3: {  	[tilespmem:s26], [sflag:$0x1] =	stream.indirect_vreg.gather [hbm4b:s2+s3], $0x80, v3, vm0, $0xb8;
	[tilespmem:$0x12180] =	vst v63  }
0xc4: {  	v3 =	vld [tilespmem:$0x100];
	_ =	sdelay $0x4  }
0xc5: {  	v62 =	vshll.u32 v3, $0x1  }
0xc6: {  	v3 =	vand.u32 $0x7, v3;
	v4 =	vand.u32 $0xFFFFFFF0, v62  }
0xc7: {  	v3 =	vor.u32 v3, v4  }
0xc8: {  	v4 =	vperm.xlane v3, v0;
	_ =	sdelay $0x1  }
0xc9: {  	v3 =	vperm.xlane v3, v2;
	v4 =	vadd.s32 v1, v4;
	_ =	sdelay $0x1  }
0xca: {  	v3 =	vadd.s32 v1, v3;
	_ =	sdelay $0x2  }
0xcb: {  	[tilespmem:s28], [sflag:$0x1] =	stream.indirect_vreg.gather [hbm4b:s2+s3], $0x80, v4, vm0, $0xb8;
	[tilespmem:$0x12180] =	vst v63  }
0xcc: {  	_ = 	snop  }
0xcd: {  	[tilespmem:s29], [sflag:$0x1] =	stream.indirect_vreg.gather [hbm4b:s2+s3], $0x80, v3, vm0, $0xb8;
	[tilespmem:$0x12180] =	vst v63  }
0xce: {  	v3 =	vld [tilespmem:$0x110];
	_ =	sdelay $0x4  }
0xcf: {  	v63 =	vshll.u32 v3, $0x1  }
0xd0: {  	v3 =	vand.u32 $0x7, v3;
	v4 =	vand.u32 $0xFFFFFFF0, v63  }
0xd1: {  	v3 =	vor.u32 v3, v4  }
0xd2: {  	v4 =	vperm.xlane v3, v0;
	_ =	sdelay $0x1  }
0xd3: {  	v3 =	vperm.xlane v3, v2;
	v4 =	vadd.s32 v1, v4;
	_ =	sdelay $0x1  }
0xd4: {  	v3 =	vadd.s32 v1, v3;
	_ =	sdelay $0x2  }
0xd5: {  	[tilespmem:s30], [sflag:$0x1] =	stream.indirect_vreg.gather [hbm4b:s2+s3], $0x80, v4, vm0, $0xb8;
	[tilespmem:$0x12180] =	vst v63  }
0xd6: {  	_ = 	snop  }
0xd7: {  	[tilespmem:s31], [sflag:$0x1] =	stream.indirect_vreg.gather [hbm4b:s2+s3], $0x80, v3, vm0, $0xb8;
	[tilespmem:$0x12180] =	vst v63  }
0xd8: {  	_ =	swait.ge [sflag:s1], $0x12000  }
0xd9: {  	p0 =	sne.s32 s4, $0x1;
	[sflag:s1] =	ssyncset.done $0x0  }
.Ltmp0:
0xda: {  	s7 =	rddreg [dreg:$0x4];
	[sflag:s1] =	ssyncadd.s32 $0xFFFEE000;
	(pc) =	sbr.rel @p0 .LBB2_1-.Ltmp0, $4  }
0xdb: {  	[hbm4b:s7+s3] =	stream.linear.scatter [tilespmem:s6], [sflag:$0x2], $0x12000, $0x38;
	[tilespmem:$0x12180] =	vst v63  }
0xdc: {  	_ =	swait.ge [sflag:s5], $0x12000  }
0xdd: {  	[sflag:s5] =	ssyncset.done $0x0  }
0xde: {  	s4 =	sadd.s32 $0xFFFFFFFF, s4;
	[sflag:s5] =	ssyncadd.s32 $0xFFFEE000  }
0xdf: {  	_ =	sfence.sel $0x180000  }
0xe0: {  	[bflag:$0x0] =	sbarrier.arrive $0xFFFF  }
0xe1: {  	_ =	strace $0x90000047  }
0xe2: {  	s0 =	stileid.u32;
	[bflag:$0x2] =	sbarrier.arrive $0xFFFF  }
0xe3: {  	p0 =	sne.s32 s0, $0x0;
	s0 =	rddreg [dreg:$0x2]  }
0xe4: {  	s0 =	sadd.s32 @!p0 $0x100000, s0  }
0xe5: {  	[sflag:s0] =	ssyncadd.tile.s32 @!p0 $0x1;
	_ =	shalt  }
.Lfunc_end2:
_tile_overlayer_lowered:
.L_overlay_start_2:
0xe6: {  	(tag) =	ssettag $0x2  }
0xe7: {  	s0 =	rddreg [dreg:$0x0];
	s2 =	stileid.u32  }
0xe8: {  	s1 =	rddreg [dreg:$0x1];
	p0 =	sne.s32 s2, $0x0  }
0xe9: {  	s3 =	rddreg [dreg:$0x2];
	[bflag:$0x3] =	sbarrier.arrive $0xFFFF;
	s2 =	simm.s32 @!p0 $0x1C02  }
0xea: {  	[timem:s3], [sflag:s2] =	dma.local @!p0 [hbm:s0], s1  }
0xeb: {  	s0 =	simm.s32 @!p0 $0x2  }
0xec: {  	_ =	swait.ge @!p0 [sflag:s0], s1  }
0xed: {  	s1 =	ssub.s32 @!p0 $0x0, s1;
	[sflag:s0] =	ssyncset.done @!p0 $0x0  }
0xee: {  	[sflag:s0] =	ssyncadd.s32 @!p0 s1  }
0xef: {  	[bflag:$0x3] =	sbarrier.arrive $0xFFFF  }
0xf0: {  	_ =	shalt  }

</sc_bundles>
